<compile_context>
chip_gen: v7x
topology: tpu7x:2x2x1
jax: 0.10.2.dev20260603
libtpu: 0.0.44.dev20260713+nightly
codegen_flags: <defaults>
</compile_context>

<pallas_src>
import functools

import jax
import jax.numpy as jnp
from jax import lax
from jax.experimental import pallas as pl
from jax.experimental.pallas import tpu as pltpu
from jax.experimental.pallas import tpu_sc as plsc

_N = 100000
_D = 512
_NC = 2
_NS = 16
_NW = _NC * _NS
_R = 40
_CHUNKS = _N // _R
_KMAX = -(-_CHUNKS // _NW)
_NB = 3
_G = _D // 16
_RU = 16

_BN = 2000


def _tc_u_block(mask_ref, x_ref, xt_ref, u_ref):
    m = mask_ref[:]
    u_ref[:] = jnp.where(m, xt_ref[:], x_ref[:])


def _tc_u(mask, x, x_tilde):
    n, d = x.shape
    return pl.pallas_call(
        _tc_u_block,
        grid=(n // _BN,),
        in_specs=[
            pl.BlockSpec((1, d), lambda i: (0, 0)),
            pl.BlockSpec((_BN, d), lambda i: (i, 0)),
            pl.BlockSpec((_BN, d), lambda i: (i, 0)),
        ],
        out_specs=pl.BlockSpec((_BN, d), lambda i: (i, 0)),
        out_shape=jax.ShapeDtypeStruct((n, d), x.dtype),
    )(mask, x, x_tilde)


def _make_sc_ut():
    mesh = plsc.VectorSubcoreMesh(core_axis_name="c", subcore_axis_name="s")

    @functools.partial(
        pl.kernel,
        mesh=mesh,
        out_type=jax.ShapeDtypeStruct((_N, _D), jnp.float32),
        scratch_types=(
            [pltpu.VMEM((_D,), jnp.int32)]
            + [pltpu.VMEM((_R, _D), jnp.float32) for _ in range(2 * _NB)]
            + [pltpu.SemaphoreType.DMA for _ in range(2 * _NB)]
        ),
    )
    def sc_ut(mask_hbm, x_hbm, xt_hbm, ut_hbm,
              mask_v, x_v0, x_v1, x_v2, xt_v0, xt_v1, xt_v2,
              in_sem0, in_sem1, in_sem2, out_sem0, out_sem1, out_sem2):
        x_v = (x_v0, x_v1, x_v2)
        xt_v = (xt_v0, xt_v1, xt_v2)
        in_sem = (in_sem0, in_sem1, in_sem2)
        out_sem = (out_sem0, out_sem1, out_sem2)

        wid = lax.axis_index("s") * _NC + lax.axis_index("c")
        pltpu.sync_copy(mask_hbm, mask_v)

        def rows_of(k):
            return pl.ds((wid + k * _NW) * _R, _R)

        def start_in(k, b):
            pltpu.async_copy(x_hbm.at[rows_of(k)], x_v[b], in_sem[b])
            pltpu.async_copy(xt_hbm.at[rows_of(k)], xt_v[b], in_sem[b])

        def wait_in(k, b):
            pltpu.make_async_copy(x_hbm.at[rows_of(k)], x_v[b], in_sem[b]).wait()
            pltpu.make_async_copy(xt_hbm.at[rows_of(k)], xt_v[b], in_sem[b]).wait()

        def start_out(k, b):
            pltpu.async_copy(xt_v[b], ut_hbm.at[rows_of(k)], out_sem[b])

        def wait_out(k, b):
            pltpu.make_async_copy(xt_v[b], ut_hbm.at[rows_of(k)], out_sem[b]).wait()

        def valid(k):
            return wid + k * _NW < _CHUNKS

        def compute(b):
            def grp(g, c, b=b):
                off = g * 16
                mb = mask_v[pl.ds(off, 16)] != 0
                for r in range(_R):
                    xv = x_v[b][r, pl.ds(off, 16)]
                    tv = xt_v[b][r, pl.ds(off, 16)]
                    xt_v[b][r, pl.ds(off, 16)] = jnp.where(mb, xv, tv)
                return c

            lax.fori_loop(0, _G, grp, 0)

        start_in(0, 0)

        def step(k3, carry):
            for b in range(_NB):
                k = k3 * _NB + b

                nb = (b + 1) % _NB

                @pl.when(valid(k + 1))
                def _(k=k, nb=nb):
                    @pl.when(k >= 2)
                    def _(k=k, nb=nb):
                        wait_out(k - 2, nb)

                    start_in(k + 1, nb)

                @pl.when(valid(k))
                def _(k=k, b=b):
                    wait_in(k, b)
                    start_out(k, b)

            return carry

        lax.fori_loop(0, -(-(_KMAX + 1) // _NB), step, 0)

        for k in range(_KMAX - 4, _KMAX):
            @pl.when(valid(k) & jnp.logical_not(valid(k + _NB)))
            def _(k=k):
                wait_out(k, k % _NB)

    return sc_ut


_sc_ut = _make_sc_ut()


@jax.jit
def kernel(x, x_tilde):
    n, d = x.shape
    bool_swap = jax.random.bernoulli(jax.random.key(42), 0.5, (d,))
    mask_i = bool_swap.astype(jnp.int32)
    ut = _sc_ut(mask_i, x, x_tilde)
    u = _tc_u(bool_swap[None, :], x, x_tilde)
    return (u, ut)

# --- scband reference (transcript-rebuilt; emitter-appended) ---
"""Pipeline reference for scband-random-swapper-6305011990891 (READ-ONLY COPY).

The authoritative reference and input builder live on the scoring server;
editing this copy changes nothing except your own understanding.
"""

import jax, jax.numpy as jnp
import numpy as np

N = 100000
D = 512


def setup_inputs(seed: int = 0) -> dict:
    key = jax.random.key(seed)
    k1, k2 = jax.random.split(key)
    x = jax.random.normal(k1, (N, D), dtype=jnp.float32)
    x_tilde = jax.random.normal(k2, (N, D), dtype=jnp.float32)
    return {"x": x, "x_tilde": x_tilde}


def reference(x, x_tilde):
    n, d = x.shape
    # np.random.binomial(1, 0.5, size=d) == 1  -> deterministic bernoulli mask with fixed key
    bool_swap = jax.random.bernoulli(jax.random.key(42), 0.5, (d,))
    # u gets x_tilde on swapped columns, x on kept columns
    u = jnp.where(bool_swap[None, :], x_tilde, x)
    # u_tilde gets x on swapped columns, x_tilde on kept columns
    u_tilde = jnp.where(bool_swap[None, :], x, x_tilde)
    return (u, u_tilde)

if __name__ == "__main__":
    import jax
    _d = setup_inputs()
    print(jax.jit(kernel)(*tuple(_d.values())))

</pallas_src>

<mosaic_0001>
#map = affine_map<(d0, d1) -> (0)>
#map1 = affine_map<(d0, d1) -> (0, 0)>
module attributes {stable_mosaic.version = 14 : i64} {
  func.func @sc_ut(%arg0: i32, %arg1: i32, %arg2: memref<512xi32, #tpu.memory_space<hbm>>, %arg3: memref<100000x512xf32, #tpu.memory_space<hbm>>, %arg4: memref<100000x512xf32, #tpu.memory_space<hbm>>, %arg5: memref<100000x512xf32, #tpu.memory_space<hbm>>, %arg6: memref<512xi32, #tpu.memory_space<vmem>>, %arg7: memref<40x512xf32, #tpu.memory_space<vmem>>, %arg8: memref<40x512xf32, #tpu.memory_space<vmem>>, %arg9: memref<40x512xf32, #tpu.memory_space<vmem>>, %arg10: memref<40x512xf32, #tpu.memory_space<vmem>>, %arg11: memref<40x512xf32, #tpu.memory_space<vmem>>, %arg12: memref<40x512xf32, #tpu.memory_space<vmem>>, %arg13: memref<!tpu.dma_semaphore, #tpu.memory_space<semaphore_mem>>, %arg14: memref<!tpu.dma_semaphore, #tpu.memory_space<semaphore_mem>>, %arg15: memref<!tpu.dma_semaphore, #tpu.memory_space<semaphore_mem>>, %arg16: memref<!tpu.dma_semaphore, #tpu.memory_space<semaphore_mem>>, %arg17: memref<!tpu.dma_semaphore, #tpu.memory_space<semaphore_mem>>, %arg18: memref<!tpu.dma_semaphore, #tpu.memory_space<semaphore_mem>>) attributes {dimension_semantics = [#tpu.dimension_semantics<core_parallel>, #tpu.dimension_semantics<subcore_parallel>], iteration_bounds = array<i64: 2, 16>, scalar_prefetch = 0 : i64, scratch_operands = 13 : i64, tpu.core_type = #tpu.core_type<sc_vector_subcore>, window_params = [{transform_indices = #map}, {transform_indices = #map1}, {transform_indices = #map1}, {transform_indices = #map1}]} {
    %mul3A = arith.constant 2 : i32
    %mul3A_0 = arith.muli %arg1, %mul3A : i32
    %add3A = arith.addi %mul3A_0, %arg0 : i32
    "tpu.region"() ({
      %run_scoped3A = tpu.sem_alloc : memref<!tpu.dma_semaphore, #tpu.memory_space<semaphore_mem>>
      tpu.enqueue_dma source(%arg2 : memref<512xi32, #tpu.memory_space<hbm>>) target(%arg6 : memref<512xi32, #tpu.memory_space<vmem>>) target_semaphore(%run_scoped3A : memref<!tpu.dma_semaphore, #tpu.memory_space<semaphore_mem>>)
      tpu.wait_dma2 semaphore(%run_scoped3A : memref<!tpu.dma_semaphore, #tpu.memory_space<semaphore_mem>>) src(%arg2 : memref<512xi32, #tpu.memory_space<hbm>>) dst(%arg6 : memref<512xi32, #tpu.memory_space<vmem>>)
      tpu.yield
    }) : () -> ()
    %add3A_1 = arith.constant 0 : i32
    %add3A_2 = arith.addi %add3A, %add3A_1 : i32
    %mul3A_3 = arith.constant 40 : i32
    %mul3A_4 = arith.muli %add3A_2, %mul3A_3 : i32
    %dma_start3A = arith.constant 0 : i32
    %dma_start3A_5 = tpu.memref_slice %arg3[%mul3A_4, %dma_start3A] : memref<100000x512xf32, #tpu.memory_space<hbm>> -> memref<40x512xf32, #tpu.memory_space<hbm>>
    %dma_start3A_6 = arith.constant 0 : i32
    %dma_start3A_7 = tpu.memref_slice %arg3[%mul3A_4, %dma_start3A_6] : memref<100000x512xf32, #tpu.memory_space<hbm>> -> memref<40x512xf32, #tpu.memory_space<hbm>>
    tpu.enqueue_dma source(%dma_start3A_7 : memref<40x512xf32, #tpu.memory_space<hbm>>) target(%arg7 : memref<40x512xf32, #tpu.memory_space<vmem>>) target_semaphore(%arg13 : memref<!tpu.dma_semaphore, #tpu.memory_space<semaphore_mem>>)
    %add3A_8 = arith.constant 0 : i32
    %add3A_9 = arith.addi %add3A, %add3A_8 : i32
    %mul3A_10 = arith.constant 40 : i32
    %mul3A_11 = arith.muli %add3A_9, %mul3A_10 : i32
    %dma_start3A_12 = arith.constant 0 : i32
    %dma_start3A_13 = tpu.memref_slice %arg4[%mul3A_11, %dma_start3A_12] : memref<100000x512xf32, #tpu.memory_space<hbm>> -> memref<40x512xf32, #tpu.memory_space<hbm>>
    %dma_start3A_14 = arith.constant 0 : i32
    %dma_start3A_15 = tpu.memref_slice %arg4[%mul3A_11, %dma_start3A_14] : memref<100000x512xf32, #tpu.memory_space<hbm>> -> memref<40x512xf32, #tpu.memory_space<hbm>>
    tpu.enqueue_dma source(%dma_start3A_15 : memref<40x512xf32, #tpu.memory_space<hbm>>) target(%arg10 : memref<40x512xf32, #tpu.memory_space<vmem>>) target_semaphore(%arg13 : memref<!tpu.dma_semaphore, #tpu.memory_space<semaphore_mem>>)
    %scan3A = arith.constant 0 : i32
    %scan3A_16 = arith.constant 0 : i32
    %scan3A_17 = arith.constant 27 : i32
    %scan3A_18 = arith.addi %scan3A_16, %scan3A_17 : i32
    %scan3A_19 = arith.constant 1 : i32
    scf.for %scan3A_72 = %scan3A_16 to %scan3A_18 step %scan3A_19  : i32 {
      %mul3A_73 = arith.constant 3 : i32
      %mul3A_74 = arith.muli %scan3A_72, %mul3A_73 : i32
      %add3A_75 = arith.constant 0 : i32
      %add3A_76 = arith.addi %mul3A_74, %add3A_75 : i32
      %add3A_77 = arith.constant 1 : i32
      %add3A_78 = arith.addi %add3A_76, %add3A_77 : i32
      %mul3A_79 = arith.constant 32 : i32
      %mul3A_80 = arith.muli %add3A_78, %mul3A_79 : i32
      %add3A_81 = arith.addi %add3A, %mul3A_80 : i32
      %lt3A_82 = arith.constant 2500 : i32
      %lt3A_83 = arith.cmpi slt, %add3A_81, %lt3A_82 : i32
      %convert_element_type3A_84 = arith.extui %lt3A_83 : i1 to i32
      %cond3A_85 = arith.constant 0 : i32
      %cond3A_86 = arith.cmpi ne, %convert_element_type3A_84, %cond3A_85 : i32
      scf.if %cond3A_86 {
        %ge3A = arith.constant 2 : i32
        %ge3A_139 = arith.cmpi sge, %add3A_76, %ge3A : i32
        %convert_element_type3A_140 = arith.extui %ge3A_139 : i1 to i32
        %cond3A_141 = arith.constant 0 : i32
        %cond3A_142 = arith.cmpi ne, %convert_element_type3A_140, %cond3A_141 : i32
        scf.if %cond3A_142 {
          %sub3A = arith.constant 2 : i32
          %sub3A_163 = arith.subi %add3A_76, %sub3A : i32
          %mul3A_164 = arith.constant 32 : i32
          %mul3A_165 = arith.muli %sub3A_163, %mul3A_164 : i32
          %add3A_166 = arith.addi %add3A, %mul3A_165 : i32
          %mul3A_167 = arith.constant 40 : i32
          %mul3A_168 = arith.muli %add3A_166, %mul3A_167 : i32
          %dma_wait3A = arith.constant 0 : i32
          %dma_wait3A_169 = tpu.memref_slice %arg5[%mul3A_168, %dma_wait3A] : memref<100000x512xf32, #tpu.memory_space<hbm>> -> memref<40x512xf32, #tpu.memory_space<hbm>>
          %dma_wait3A_170 = arith.constant 0 : i32
          %dma_wait3A_171 = tpu.memref_slice %arg5[%mul3A_168, %dma_wait3A_170] : memref<100000x512xf32, #tpu.memory_space<hbm>> -> memref<40x512xf32, #tpu.memory_space<hbm>>
          tpu.wait_dma2 semaphore(%arg17 : memref<!tpu.dma_semaphore, #tpu.memory_space<semaphore_mem>>) src(%arg11 : memref<40x512xf32, #tpu.memory_space<vmem>>) dst(%dma_wait3A_171 : memref<40x512xf32, #tpu.memory_space<hbm>>)
        } else {
        }
        %add3A_143 = arith.constant 1 : i32
        %add3A_144 = arith.addi %add3A_76, %add3A_143 : i32
        %mul3A_145 = arith.constant 32 : i32
        %mul3A_146 = arith.muli %add3A_144, %mul3A_145 : i32
        %add3A_147 = arith.addi %add3A, %mul3A_146 : i32
        %mul3A_148 = arith.constant 40 : i32
        %mul3A_149 = arith.muli %add3A_147, %mul3A_148 : i32
        %dma_start3A_150 = arith.constant 0 : i32
        %dma_start3A_151 = tpu.memref_slice %arg3[%mul3A_149, %dma_start3A_150] : memref<100000x512xf32, #tpu.memory_space<hbm>> -> memref<40x512xf32, #tpu.memory_space<hbm>>
        %dma_start3A_152 = arith.constant 0 : i32
        %dma_start3A_153 = tpu.memref_slice %arg3[%mul3A_149, %dma_start3A_152] : memref<100000x512xf32, #tpu.memory_space<hbm>> -> memref<40x512xf32, #tpu.memory_space<hbm>>
        tpu.enqueue_dma source(%dma_start3A_153 : memref<40x512xf32, #tpu.memory_space<hbm>>) target(%arg8 : memref<40x512xf32, #tpu.memory_space<vmem>>) target_semaphore(%arg14 : memref<!tpu.dma_semaphore, #tpu.memory_space<semaphore_mem>>)
        %mul3A_154 = arith.constant 32 : i32
        %mul3A_155 = arith.muli %add3A_144, %mul3A_154 : i32
        %add3A_156 = arith.addi %add3A, %mul3A_155 : i32
        %mul3A_157 = arith.constant 40 : i32
        %mul3A_158 = arith.muli %add3A_156, %mul3A_157 : i32
        %dma_start3A_159 = arith.constant 0 : i32
        %dma_start3A_160 = tpu.memref_slice %arg4[%mul3A_158, %dma_start3A_159] : memref<100000x512xf32, #tpu.memory_space<hbm>> -> memref<40x512xf32, #tpu.memory_space<hbm>>
        %dma_start3A_161 = arith.constant 0 : i32
        %dma_start3A_162 = tpu.memref_slice %arg4[%mul3A_158, %dma_start3A_161] : memref<100000x512xf32, #tpu.memory_space<hbm>> -> memref<40x512xf32, #tpu.memory_space<hbm>>
        tpu.enqueue_dma source(%dma_start3A_162 : memref<40x512xf32, #tpu.memory_space<hbm>>) target(%arg11 : memref<40x512xf32, #tpu.memory_space<vmem>>) target_semaphore(%arg14 : memref<!tpu.dma_semaphore, #tpu.memory_space<semaphore_mem>>)
      } else {
      }
      %mul3A_87 = arith.constant 32 : i32
      %mul3A_88 = arith.muli %add3A_76, %mul3A_87 : i32
      %add3A_89 = arith.addi %add3A, %mul3A_88 : i32
      %lt3A_90 = arith.constant 2500 : i32
      %lt3A_91 = arith.cmpi slt, %add3A_89, %lt3A_90 : i32
      %convert_element_type3A_92 = arith.extui %lt3A_91 : i1 to i32
      %cond3A_93 = arith.constant 0 : i32
      %cond3A_94 = arith.cmpi ne, %convert_element_type3A_92, %cond3A_93 : i32
      scf.if %cond3A_94 {
        %mul3A_139 = arith.constant 32 : i32
        %mul3A_140 = arith.muli %add3A_76, %mul3A_139 : i32
        %add3A_141 = arith.addi %add3A, %mul3A_140 : i32
        %mul3A_142 = arith.constant 40 : i32
        %mul3A_143 = arith.muli %add3A_141, %mul3A_142 : i32
        %dma_wait3A = arith.constant 0 : i32
        %dma_wait3A_144 = tpu.memref_slice %arg3[%mul3A_143, %dma_wait3A] : memref<100000x512xf32, #tpu.memory_space<hbm>> -> memref<40x512xf32, #tpu.memory_space<hbm>>
        %dma_wait3A_145 = arith.constant 0 : i32
        %dma_wait3A_146 = tpu.memref_slice %arg3[%mul3A_143, %dma_wait3A_145] : memref<100000x512xf32, #tpu.memory_space<hbm>> -> memref<40x512xf32, #tpu.memory_space<hbm>>
        tpu.wait_dma2 semaphore(%arg13 : memref<!tpu.dma_semaphore, #tpu.memory_space<semaphore_mem>>) src(%dma_wait3A_146 : memref<40x512xf32, #tpu.memory_space<hbm>>) dst(%arg7 : memref<40x512xf32, #tpu.memory_space<vmem>>)
        %mul3A_147 = arith.constant 32 : i32
        %mul3A_148 = arith.muli %add3A_76, %mul3A_147 : i32
        %add3A_149 = arith.addi %add3A, %mul3A_148 : i32
        %mul3A_150 = arith.constant 40 : i32
        %mul3A_151 = arith.muli %add3A_149, %mul3A_150 : i32
        %dma_wait3A_152 = arith.constant 0 : i32
        %dma_wait3A_153 = tpu.memref_slice %arg4[%mul3A_151, %dma_wait3A_152] : memref<100000x512xf32, #tpu.memory_space<hbm>> -> memref<40x512xf32, #tpu.memory_space<hbm>>
        %dma_wait3A_154 = arith.constant 0 : i32
        %dma_wait3A_155 = tpu.memref_slice %arg4[%mul3A_151, %dma_wait3A_154] : memref<100000x512xf32, #tpu.memory_space<hbm>> -> memref<40x512xf32, #tpu.memory_space<hbm>>
        tpu.wait_dma2 semaphore(%arg13 : memref<!tpu.dma_semaphore, #tpu.memory_space<semaphore_mem>>) src(%dma_wait3A_155 : memref<40x512xf32, #tpu.memory_space<hbm>>) dst(%arg10 : memref<40x512xf32, #tpu.memory_space<vmem>>)
        %mul3A_156 = arith.constant 32 : i32
        %mul3A_157 = arith.muli %add3A_76, %mul3A_156 : i32
        %add3A_158 = arith.addi %add3A, %mul3A_157 : i32
        %mul3A_159 = arith.constant 40 : i32
        %mul3A_160 = arith.muli %add3A_158, %mul3A_159 : i32
        %dma_start3A_161 = arith.constant 0 : i32
        %dma_start3A_162 = tpu.memref_slice %arg5[%mul3A_160, %dma_start3A_161] : memref<100000x512xf32, #tpu.memory_space<hbm>> -> memref<40x512xf32, #tpu.memory_space<hbm>>
        %dma_start3A_163 = arith.constant 0 : i32
        %dma_start3A_164 = tpu.memref_slice %arg5[%mul3A_160, %dma_start3A_163] : memref<100000x512xf32, #tpu.memory_space<hbm>> -> memref<40x512xf32, #tpu.memory_space<hbm>>
        tpu.enqueue_dma source(%arg10 : memref<40x512xf32, #tpu.memory_space<vmem>>) target(%dma_start3A_164 : memref<40x512xf32, #tpu.memory_space<hbm>>) target_semaphore(%arg16 : memref<!tpu.dma_semaphore, #tpu.memory_space<semaphore_mem>>)
      } else {
      }
      %mul3A_95 = arith.constant 3 : i32
      %mul3A_96 = arith.muli %scan3A_72, %mul3A_95 : i32
      %add3A_97 = arith.constant 1 : i32
      %add3A_98 = arith.addi %mul3A_96, %add3A_97 : i32
      %add3A_99 = arith.constant 1 : i32
      %add3A_100 = arith.addi %add3A_98, %add3A_99 : i32
      %mul3A_101 = arith.constant 32 : i32
      %mul3A_102 = arith.muli %add3A_100, %mul3A_101 : i32
      %add3A_103 = arith.addi %add3A, %mul3A_102 : i32
      %lt3A_104 = arith.constant 2500 : i32
      %lt3A_105 = arith.cmpi slt, %add3A_103, %lt3A_104 : i32
      %convert_element_type3A_106 = arith.extui %lt3A_105 : i1 to i32
      %cond3A_107 = arith.constant 0 : i32
      %cond3A_108 = arith.cmpi ne, %convert_element_type3A_106, %cond3A_107 : i32
      scf.if %cond3A_108 {
        %ge3A = arith.constant 2 : i32
        %ge3A_139 = arith.cmpi sge, %add3A_98, %ge3A : i32
        %convert_element_type3A_140 = arith.extui %ge3A_139 : i1 to i32
        %cond3A_141 = arith.constant 0 : i32
        %cond3A_142 = arith.cmpi ne, %convert_element_type3A_140, %cond3A_141 : i32
        scf.if %cond3A_142 {
          %sub3A = arith.constant 2 : i32
          %sub3A_163 = arith.subi %add3A_98, %sub3A : i32
          %mul3A_164 = arith.constant 32 : i32
          %mul3A_165 = arith.muli %sub3A_163, %mul3A_164 : i32
          %add3A_166 = arith.addi %add3A, %mul3A_165 : i32
          %mul3A_167 = arith.constant 40 : i32
          %mul3A_168 = arith.muli %add3A_166, %mul3A_167 : i32
          %dma_wait3A = arith.constant 0 : i32
          %dma_wait3A_169 = tpu.memref_slice %arg5[%mul3A_168, %dma_wait3A] : memref<100000x512xf32, #tpu.memory_space<hbm>> -> memref<40x512xf32, #tpu.memory_space<hbm>>
          %dma_wait3A_170 = arith.constant 0 : i32
          %dma_wait3A_171 = tpu.memref_slice %arg5[%mul3A_168, %dma_wait3A_170] : memref<100000x512xf32, #tpu.memory_space<hbm>> -> memref<40x512xf32, #tpu.memory_space<hbm>>
          tpu.wait_dma2 semaphore(%arg18 : memref<!tpu.dma_semaphore, #tpu.memory_space<semaphore_mem>>) src(%arg12 : memref<40x512xf32, #tpu.memory_space<vmem>>) dst(%dma_wait3A_171 : memref<40x512xf32, #tpu.memory_space<hbm>>)
        } else {
        }
        %add3A_143 = arith.constant 1 : i32
        %add3A_144 = arith.addi %add3A_98, %add3A_143 : i32
        %mul3A_145 = arith.constant 32 : i32
        %mul3A_146 = arith.muli %add3A_144, %mul3A_145 : i32
        %add3A_147 = arith.addi %add3A, %mul3A_146 : i32
        %mul3A_148 = arith.constant 40 : i32
        %mul3A_149 = arith.muli %add3A_147, %mul3A_148 : i32
        %dma_start3A_150 = arith.constant 0 : i32
        %dma_start3A_151 = tpu.memref_slice %arg3[%mul3A_149, %dma_start3A_150] : memref<100000x512xf32, #tpu.memory_space<hbm>> -> memref<40x512xf32, #tpu.memory_space<hbm>>
        %dma_start3A_152 = arith.constant 0 : i32
        %dma_start3A_153 = tpu.memref_slice %arg3[%mul3A_149, %dma_start3A_152] : memref<100000x512xf32, #tpu.memory_space<hbm>> -> memref<40x512xf32, #tpu.memory_space<hbm>>
        tpu.enqueue_dma source(%dma_start3A_153 : memref<40x512xf32, #tpu.memory_space<hbm>>) target(%arg9 : memref<40x512xf32, #tpu.memory_space<vmem>>) target_semaphore(%arg15 : memref<!tpu.dma_semaphore, #tpu.memory_space<semaphore_mem>>)
        %mul3A_154 = arith.constant 32 : i32
        %mul3A_155 = arith.muli %add3A_144, %mul3A_154 : i32
        %add3A_156 = arith.addi %add3A, %mul3A_155 : i32
        %mul3A_157 = arith.constant 40 : i32
        %mul3A_158 = arith.muli %add3A_156, %mul3A_157 : i32
        %dma_start3A_159 = arith.constant 0 : i32
        %dma_start3A_160 = tpu.memref_slice %arg4[%mul3A_158, %dma_start3A_159] : memref<100000x512xf32, #tpu.memory_space<hbm>> -> memref<40x512xf32, #tpu.memory_space<hbm>>
        %dma_start3A_161 = arith.constant 0 : i32
        %dma_start3A_162 = tpu.memref_slice %arg4[%mul3A_158, %dma_start3A_161] : memref<100000x512xf32, #tpu.memory_space<hbm>> -> memref<40x512xf32, #tpu.memory_space<hbm>>
        tpu.enqueue_dma source(%dma_start3A_162 : memref<40x512xf32, #tpu.memory_space<hbm>>) target(%arg12 : memref<40x512xf32, #tpu.memory_space<vmem>>) target_semaphore(%arg15 : memref<!tpu.dma_semaphore, #tpu.memory_space<semaphore_mem>>)
      } else {
      }
      %mul3A_109 = arith.constant 32 : i32
      %mul3A_110 = arith.muli %add3A_98, %mul3A_109 : i32
      %add3A_111 = arith.addi %add3A, %mul3A_110 : i32
      %lt3A_112 = arith.constant 2500 : i32
      %lt3A_113 = arith.cmpi slt, %add3A_111, %lt3A_112 : i32
      %convert_element_type3A_114 = arith.extui %lt3A_113 : i1 to i32
      %cond3A_115 = arith.constant 0 : i32
      %cond3A_116 = arith.cmpi ne, %convert_element_type3A_114, %cond3A_115 : i32
      scf.if %cond3A_116 {
        %mul3A_139 = arith.constant 32 : i32
        %mul3A_140 = arith.muli %add3A_98, %mul3A_139 : i32
        %add3A_141 = arith.addi %add3A, %mul3A_140 : i32
        %mul3A_142 = arith.constant 40 : i32
        %mul3A_143 = arith.muli %add3A_141, %mul3A_142 : i32
        %dma_wait3A = arith.constant 0 : i32
        %dma_wait3A_144 = tpu.memref_slice %arg3[%mul3A_143, %dma_wait3A] : memref<100000x512xf32, #tpu.memory_space<hbm>> -> memref<40x512xf32, #tpu.memory_space<hbm>>
        %dma_wait3A_145 = arith.constant 0 : i32
        %dma_wait3A_146 = tpu.memref_slice %arg3[%mul3A_143, %dma_wait3A_145] : memref<100000x512xf32, #tpu.memory_space<hbm>> -> memref<40x512xf32, #tpu.memory_space<hbm>>
        tpu.wait_dma2 semaphore(%arg14 : memref<!tpu.dma_semaphore, #tpu.memory_space<semaphore_mem>>) src(%dma_wait3A_146 : memref<40x512xf32, #tpu.memory_space<hbm>>) dst(%arg8 : memref<40x512xf32, #tpu.memory_space<vmem>>)
        %mul3A_147 = arith.constant 32 : i32
        %mul3A_148 = arith.muli %add3A_98, %mul3A_147 : i32
        %add3A_149 = arith.addi %add3A, %mul3A_148 : i32
        %mul3A_150 = arith.constant 40 : i32
        %mul3A_151 = arith.muli %add3A_149, %mul3A_150 : i32
        %dma_wait3A_152 = arith.constant 0 : i32
        %dma_wait3A_153 = tpu.memref_slice %arg4[%mul3A_151, %dma_wait3A_152] : memref<100000x512xf32, #tpu.memory_space<hbm>> -> memref<40x512xf32, #tpu.memory_space<hbm>>
        %dma_wait3A_154 = arith.constant 0 : i32
        %dma_wait3A_155 = tpu.memref_slice %arg4[%mul3A_151, %dma_wait3A_154] : memref<100000x512xf32, #tpu.memory_space<hbm>> -> memref<40x512xf32, #tpu.memory_space<hbm>>
        tpu.wait_dma2 semaphore(%arg14 : memref<!tpu.dma_semaphore, #tpu.memory_space<semaphore_mem>>) src(%dma_wait3A_155 : memref<40x512xf32, #tpu.memory_space<hbm>>) dst(%arg11 : memref<40x512xf32, #tpu.memory_space<vmem>>)
        %mul3A_156 = arith.constant 32 : i32
        %mul3A_157 = arith.muli %add3A_98, %mul3A_156 : i32
        %add3A_158 = arith.addi %add3A, %mul3A_157 : i32
        %mul3A_159 = arith.constant 40 : i32
        %mul3A_160 = arith.muli %add3A_158, %mul3A_159 : i32
        %dma_start3A_161 = arith.constant 0 : i32
        %dma_start3A_162 = tpu.memref_slice %arg5[%mul3A_160, %dma_start3A_161] : memref<100000x512xf32, #tpu.memory_space<hbm>> -> memref<40x512xf32, #tpu.memory_space<hbm>>
        %dma_start3A_163 = arith.constant 0 : i32
        %dma_start3A_164 = tpu.memref_slice %arg5[%mul3A_160, %dma_start3A_163] : memref<100000x512xf32, #tpu.memory_space<hbm>> -> memref<40x512xf32, #tpu.memory_space<hbm>>
        tpu.enqueue_dma source(%arg11 : memref<40x512xf32, #tpu.memory_space<vmem>>) target(%dma_start3A_164 : memref<40x512xf32, #tpu.memory_space<hbm>>) target_semaphore(%arg17 : memref<!tpu.dma_semaphore, #tpu.memory_space<semaphore_mem>>)
      } else {
      }
      %mul3A_117 = arith.constant 3 : i32
      %mul3A_118 = arith.muli %scan3A_72, %mul3A_117 : i32
      %add3A_119 = arith.constant 2 : i32
      %add3A_120 = arith.addi %mul3A_118, %add3A_119 : i32
      %add3A_121 = arith.constant 1 : i32
      %add3A_122 = arith.addi %add3A_120, %add3A_121 : i32
      %mul3A_123 = arith.constant 32 : i32
      %mul3A_124 = arith.muli %add3A_122, %mul3A_123 : i32
      %add3A_125 = arith.addi %add3A, %mul3A_124 : i32
      %lt3A_126 = arith.constant 2500 : i32
      %lt3A_127 = arith.cmpi slt, %add3A_125, %lt3A_126 : i32
      %convert_element_type3A_128 = arith.extui %lt3A_127 : i1 to i32
      %cond3A_129 = arith.constant 0 : i32
      %cond3A_130 = arith.cmpi ne, %convert_element_type3A_128, %cond3A_129 : i32
      scf.if %cond3A_130 {
        %ge3A = arith.constant 2 : i32
        %ge3A_139 = arith.cmpi sge, %add3A_120, %ge3A : i32
        %convert_element_type3A_140 = arith.extui %ge3A_139 : i1 to i32
        %cond3A_141 = arith.constant 0 : i32
        %cond3A_142 = arith.cmpi ne, %convert_element_type3A_140, %cond3A_141 : i32
        scf.if %cond3A_142 {
          %sub3A = arith.constant 2 : i32
          %sub3A_163 = arith.subi %add3A_120, %sub3A : i32
          %mul3A_164 = arith.constant 32 : i32
          %mul3A_165 = arith.muli %sub3A_163, %mul3A_164 : i32
          %add3A_166 = arith.addi %add3A, %mul3A_165 : i32
          %mul3A_167 = arith.constant 40 : i32
          %mul3A_168 = arith.muli %add3A_166, %mul3A_167 : i32
          %dma_wait3A = arith.constant 0 : i32
          %dma_wait3A_169 = tpu.memref_slice %arg5[%mul3A_168, %dma_wait3A] : memref<100000x512xf32, #tpu.memory_space<hbm>> -> memref<40x512xf32, #tpu.memory_space<hbm>>
          %dma_wait3A_170 = arith.constant 0 : i32
          %dma_wait3A_171 = tpu.memref_slice %arg5[%mul3A_168, %dma_wait3A_170] : memref<100000x512xf32, #tpu.memory_space<hbm>> -> memref<40x512xf32, #tpu.memory_space<hbm>>
          tpu.wait_dma2 semaphore(%arg16 : memref<!tpu.dma_semaphore, #tpu.memory_space<semaphore_mem>>) src(%arg10 : memref<40x512xf32, #tpu.memory_space<vmem>>) dst(%dma_wait3A_171 : memref<40x512xf32, #tpu.memory_space<hbm>>)
        } else {
        }
        %add3A_143 = arith.constant 1 : i32
        %add3A_144 = arith.addi %add3A_120, %add3A_143 : i32
        %mul3A_145 = arith.constant 32 : i32
        %mul3A_146 = arith.muli %add3A_144, %mul3A_145 : i32
        %add3A_147 = arith.addi %add3A, %mul3A_146 : i32
        %mul3A_148 = arith.constant 40 : i32
        %mul3A_149 = arith.muli %add3A_147, %mul3A_148 : i32
        %dma_start3A_150 = arith.constant 0 : i32
        %dma_start3A_151 = tpu.memref_slice %arg3[%mul3A_149, %dma_start3A_150] : memref<100000x512xf32, #tpu.memory_space<hbm>> -> memref<40x512xf32, #tpu.memory_space<hbm>>
        %dma_start3A_152 = arith.constant 0 : i32
        %dma_start3A_153 = tpu.memref_slice %arg3[%mul3A_149, %dma_start3A_152] : memref<100000x512xf32, #tpu.memory_space<hbm>> -> memref<40x512xf32, #tpu.memory_space<hbm>>
        tpu.enqueue_dma source(%dma_start3A_153 : memref<40x512xf32, #tpu.memory_space<hbm>>) target(%arg7 : memref<40x512xf32, #tpu.memory_space<vmem>>) target_semaphore(%arg13 : memref<!tpu.dma_semaphore, #tpu.memory_space<semaphore_mem>>)
        %mul3A_154 = arith.constant 32 : i32
        %mul3A_155 = arith.muli %add3A_144, %mul3A_154 : i32
        %add3A_156 = arith.addi %add3A, %mul3A_155 : i32
        %mul3A_157 = arith.constant 40 : i32
        %mul3A_158 = arith.muli %add3A_156, %mul3A_157 : i32
        %dma_start3A_159 = arith.constant 0 : i32
        %dma_start3A_160 = tpu.memref_slice %arg4[%mul3A_158, %dma_start3A_159] : memref<100000x512xf32, #tpu.memory_space<hbm>> -> memref<40x512xf32, #tpu.memory_space<hbm>>
        %dma_start3A_161 = arith.constant 0 : i32
        %dma_start3A_162 = tpu.memref_slice %arg4[%mul3A_158, %dma_start3A_161] : memref<100000x512xf32, #tpu.memory_space<hbm>> -> memref<40x512xf32, #tpu.memory_space<hbm>>
        tpu.enqueue_dma source(%dma_start3A_162 : memref<40x512xf32, #tpu.memory_space<hbm>>) target(%arg10 : memref<40x512xf32, #tpu.memory_space<vmem>>) target_semaphore(%arg13 : memref<!tpu.dma_semaphore, #tpu.memory_space<semaphore_mem>>)
      } else {
      }
      %mul3A_131 = arith.constant 32 : i32
      %mul3A_132 = arith.muli %add3A_120, %mul3A_131 : i32
      %add3A_133 = arith.addi %add3A, %mul3A_132 : i32
      %lt3A_134 = arith.constant 2500 : i32
      %lt3A_135 = arith.cmpi slt, %add3A_133, %lt3A_134 : i32
      %convert_element_type3A_136 = arith.extui %lt3A_135 : i1 to i32
      %cond3A_137 = arith.constant 0 : i32
      %cond3A_138 = arith.cmpi ne, %convert_element_type3A_136, %cond3A_137 : i32
      scf.if %cond3A_138 {
        %mul3A_139 = arith.constant 32 : i32
        %mul3A_140 = arith.muli %add3A_120, %mul3A_139 : i32
        %add3A_141 = arith.addi %add3A, %mul3A_140 : i32
        %mul3A_142 = arith.constant 40 : i32
        %mul3A_143 = arith.muli %add3A_141, %mul3A_142 : i32
        %dma_wait3A = arith.constant 0 : i32
        %dma_wait3A_144 = tpu.memref_slice %arg3[%mul3A_143, %dma_wait3A] : memref<100000x512xf32, #tpu.memory_space<hbm>> -> memref<40x512xf32, #tpu.memory_space<hbm>>
        %dma_wait3A_145 = arith.constant 0 : i32
        %dma_wait3A_146 = tpu.memref_slice %arg3[%mul3A_143, %dma_wait3A_145] : memref<100000x512xf32, #tpu.memory_space<hbm>> -> memref<40x512xf32, #tpu.memory_space<hbm>>
        tpu.wait_dma2 semaphore(%arg15 : memref<!tpu.dma_semaphore, #tpu.memory_space<semaphore_mem>>) src(%dma_wait3A_146 : memref<40x512xf32, #tpu.memory_space<hbm>>) dst(%arg9 : memref<40x512xf32, #tpu.memory_space<vmem>>)
        %mul3A_147 = arith.constant 32 : i32
        %mul3A_148 = arith.muli %add3A_120, %mul3A_147 : i32
        %add3A_149 = arith.addi %add3A, %mul3A_148 : i32
        %mul3A_150 = arith.constant 40 : i32
        %mul3A_151 = arith.muli %add3A_149, %mul3A_150 : i32
        %dma_wait3A_152 = arith.constant 0 : i32
        %dma_wait3A_153 = tpu.memref_slice %arg4[%mul3A_151, %dma_wait3A_152] : memref<100000x512xf32, #tpu.memory_space<hbm>> -> memref<40x512xf32, #tpu.memory_space<hbm>>
        %dma_wait3A_154 = arith.constant 0 : i32
        %dma_wait3A_155 = tpu.memref_slice %arg4[%mul3A_151, %dma_wait3A_154] : memref<100000x512xf32, #tpu.memory_space<hbm>> -> memref<40x512xf32, #tpu.memory_space<hbm>>
        tpu.wait_dma2 semaphore(%arg15 : memref<!tpu.dma_semaphore, #tpu.memory_space<semaphore_mem>>) src(%dma_wait3A_155 : memref<40x512xf32, #tpu.memory_space<hbm>>) dst(%arg12 : memref<40x512xf32, #tpu.memory_space<vmem>>)
        %mul3A_156 = arith.constant 32 : i32
        %mul3A_157 = arith.muli %add3A_120, %mul3A_156 : i32
        %add3A_158 = arith.addi %add3A, %mul3A_157 : i32
        %mul3A_159 = arith.constant 40 : i32
        %mul3A_160 = arith.muli %add3A_158, %mul3A_159 : i32
        %dma_start3A_161 = arith.constant 0 : i32
        %dma_start3A_162 = tpu.memref_slice %arg5[%mul3A_160, %dma_start3A_161] : memref<100000x512xf32, #tpu.memory_space<hbm>> -> memref<40x512xf32, #tpu.memory_space<hbm>>
        %dma_start3A_163 = arith.constant 0 : i32
        %dma_start3A_164 = tpu.memref_slice %arg5[%mul3A_160, %dma_start3A_163] : memref<100000x512xf32, #tpu.memory_space<hbm>> -> memref<40x512xf32, #tpu.memory_space<hbm>>
        tpu.enqueue_dma source(%arg12 : memref<40x512xf32, #tpu.memory_space<vmem>>) target(%dma_start3A_164 : memref<40x512xf32, #tpu.memory_space<hbm>>) target_semaphore(%arg18 : memref<!tpu.dma_semaphore, #tpu.memory_space<semaphore_mem>>)
      } else {
      }
    }
    %scan3A_20 = arith.constant 27 : i32
    %add3A_21 = arith.constant 2400 : i32
    %add3A_22 = arith.addi %add3A, %add3A_21 : i32
    %lt3A = arith.constant 2500 : i32
    %lt3A_23 = arith.cmpi slt, %add3A_22, %lt3A : i32
    %add3A_24 = arith.constant 2496 : i32
    %add3A_25 = arith.addi %add3A, %add3A_24 : i32
    %lt3A_26 = arith.constant 2500 : i32
    %lt3A_27 = arith.cmpi slt, %add3A_25, %lt3A_26 : i32
    %not3A = arith.constant true
    %not3A_28 = arith.xori %lt3A_27, %not3A : i1
    %and3A = arith.andi %lt3A_23, %not3A_28 : i1
    %convert_element_type3A = arith.extui %and3A : i1 to i32
    %cond3A = arith.constant 0 : i32
    %cond3A_29 = arith.cmpi ne, %convert_element_type3A, %cond3A : i32
    scf.if %cond3A_29 {
      %add3A_72 = arith.constant 2400 : i32
      %add3A_73 = arith.addi %add3A, %add3A_72 : i32
      %mul3A_74 = arith.constant 40 : i32
      %mul3A_75 = arith.muli %add3A_73, %mul3A_74 : i32
      %dma_wait3A = arith.constant 0 : i32
      %dma_wait3A_76 = tpu.memref_slice %arg5[%mul3A_75, %dma_wait3A] : memref<100000x512xf32, #tpu.memory_space<hbm>> -> memref<40x512xf32, #tpu.memory_space<hbm>>
      %dma_wait3A_77 = arith.constant 0 : i32
      %dma_wait3A_78 = tpu.memref_slice %arg5[%mul3A_75, %dma_wait3A_77] : memref<100000x512xf32, #tpu.memory_space<hbm>> -> memref<40x512xf32, #tpu.memory_space<hbm>>
      tpu.wait_dma2 semaphore(%arg16 : memref<!tpu.dma_semaphore, #tpu.memory_space<semaphore_mem>>) src(%arg10 : memref<40x512xf32, #tpu.memory_space<vmem>>) dst(%dma_wait3A_78 : memref<40x512xf32, #tpu.memory_space<hbm>>)
    } else {
    }
    %add3A_30 = arith.constant 2432 : i32
    %add3A_31 = arith.addi %add3A, %add3A_30 : i32
    %lt3A_32 = arith.constant 2500 : i32
    %lt3A_33 = arith.cmpi slt, %add3A_31, %lt3A_32 : i32
    %add3A_34 = arith.constant 2528 : i32
    %add3A_35 = arith.addi %add3A, %add3A_34 : i32
    %lt3A_36 = arith.constant 2500 : i32
    %lt3A_37 = arith.cmpi slt, %add3A_35, %lt3A_36 : i32
    %not3A_38 = arith.constant true
    %not3A_39 = arith.xori %lt3A_37, %not3A_38 : i1
    %and3A_40 = arith.andi %lt3A_33, %not3A_39 : i1
    %convert_element_type3A_41 = arith.extui %and3A_40 : i1 to i32
    %cond3A_42 = arith.constant 0 : i32
    %cond3A_43 = arith.cmpi ne, %convert_element_type3A_41, %cond3A_42 : i32
    scf.if %cond3A_43 {
      %add3A_72 = arith.constant 2432 : i32
      %add3A_73 = arith.addi %add3A, %add3A_72 : i32
      %mul3A_74 = arith.constant 40 : i32
      %mul3A_75 = arith.muli %add3A_73, %mul3A_74 : i32
      %dma_wait3A = arith.constant 0 : i32
      %dma_wait3A_76 = tpu.memref_slice %arg5[%mul3A_75, %dma_wait3A] : memref<100000x512xf32, #tpu.memory_space<hbm>> -> memref<40x512xf32, #tpu.memory_space<hbm>>
      %dma_wait3A_77 = arith.constant 0 : i32
      %dma_wait3A_78 = tpu.memref_slice %arg5[%mul3A_75, %dma_wait3A_77] : memref<100000x512xf32, #tpu.memory_space<hbm>> -> memref<40x512xf32, #tpu.memory_space<hbm>>
      tpu.wait_dma2 semaphore(%arg17 : memref<!tpu.dma_semaphore, #tpu.memory_space<semaphore_mem>>) src(%arg11 : memref<40x512xf32, #tpu.memory_space<vmem>>) dst(%dma_wait3A_78 : memref<40x512xf32, #tpu.memory_space<hbm>>)
    } else {
    }
    %add3A_44 = arith.constant 2464 : i32
    %add3A_45 = arith.addi %add3A, %add3A_44 : i32
    %lt3A_46 = arith.constant 2500 : i32
    %lt3A_47 = arith.cmpi slt, %add3A_45, %lt3A_46 : i32
    %add3A_48 = arith.constant 2560 : i32
    %add3A_49 = arith.addi %add3A, %add3A_48 : i32
    %lt3A_50 = arith.constant 2500 : i32
    %lt3A_51 = arith.cmpi slt, %add3A_49, %lt3A_50 : i32
    %not3A_52 = arith.constant true
    %not3A_53 = arith.xori %lt3A_51, %not3A_52 : i1
    %and3A_54 = arith.andi %lt3A_47, %not3A_53 : i1
    %convert_element_type3A_55 = arith.extui %and3A_54 : i1 to i32
    %cond3A_56 = arith.constant 0 : i32
    %cond3A_57 = arith.cmpi ne, %convert_element_type3A_55, %cond3A_56 : i32
    scf.if %cond3A_57 {
      %add3A_72 = arith.constant 2464 : i32
      %add3A_73 = arith.addi %add3A, %add3A_72 : i32
      %mul3A_74 = arith.constant 40 : i32
      %mul3A_75 = arith.muli %add3A_73, %mul3A_74 : i32
      %dma_wait3A = arith.constant 0 : i32
      %dma_wait3A_76 = tpu.memref_slice %arg5[%mul3A_75, %dma_wait3A] : memref<100000x512xf32, #tpu.memory_space<hbm>> -> memref<40x512xf32, #tpu.memory_space<hbm>>
      %dma_wait3A_77 = arith.constant 0 : i32
      %dma_wait3A_78 = tpu.memref_slice %arg5[%mul3A_75, %dma_wait3A_77] : memref<100000x512xf32, #tpu.memory_space<hbm>> -> memref<40x512xf32, #tpu.memory_space<hbm>>
      tpu.wait_dma2 semaphore(%arg18 : memref<!tpu.dma_semaphore, #tpu.memory_space<semaphore_mem>>) src(%arg12 : memref<40x512xf32, #tpu.memory_space<vmem>>) dst(%dma_wait3A_78 : memref<40x512xf32, #tpu.memory_space<hbm>>)
    } else {
    }
    %add3A_58 = arith.constant 2496 : i32
    %add3A_59 = arith.addi %add3A, %add3A_58 : i32
    %lt3A_60 = arith.constant 2500 : i32
    %lt3A_61 = arith.cmpi slt, %add3A_59, %lt3A_60 : i32
    %add3A_62 = arith.constant 2592 : i32
    %add3A_63 = arith.addi %add3A, %add3A_62 : i32
    %lt3A_64 = arith.constant 2500 : i32
    %lt3A_65 = arith.cmpi slt, %add3A_63, %lt3A_64 : i32
    %not3A_66 = arith.constant true
    %not3A_67 = arith.xori %lt3A_65, %not3A_66 : i1
    %and3A_68 = arith.andi %lt3A_61, %not3A_67 : i1
    %convert_element_type3A_69 = arith.extui %and3A_68 : i1 to i32
    %cond3A_70 = arith.constant 0 : i32
    %cond3A_71 = arith.cmpi ne, %convert_element_type3A_69, %cond3A_70 : i32
    scf.if %cond3A_71 {
      %add3A_72 = arith.constant 2496 : i32
      %add3A_73 = arith.addi %add3A, %add3A_72 : i32
      %mul3A_74 = arith.constant 40 : i32
      %mul3A_75 = arith.muli %add3A_73, %mul3A_74 : i32
      %dma_wait3A = arith.constant 0 : i32
      %dma_wait3A_76 = tpu.memref_slice %arg5[%mul3A_75, %dma_wait3A] : memref<100000x512xf32, #tpu.memory_space<hbm>> -> memref<40x512xf32, #tpu.memory_space<hbm>>
      %dma_wait3A_77 = arith.constant 0 : i32
      %dma_wait3A_78 = tpu.memref_slice %arg5[%mul3A_75, %dma_wait3A_77] : memref<100000x512xf32, #tpu.memory_space<hbm>> -> memref<40x512xf32, #tpu.memory_space<hbm>>
      tpu.wait_dma2 semaphore(%arg16 : memref<!tpu.dma_semaphore, #tpu.memory_space<semaphore_mem>>) src(%arg10 : memref<40x512xf32, #tpu.memory_space<vmem>>) dst(%dma_wait3A_78 : memref<40x512xf32, #tpu.memory_space<hbm>>)
    } else {
    }
    return
  }
}

module attributes {stable_mosaic.version = 14 : i64} {
  func.func @_tc_u_block(%arg0: i32, %arg1: memref<1x512xi32, #tpu.memory_space<vmem>>, %arg2: memref<2000x512xf32, #tpu.memory_space<vmem>>, %arg3: memref<2000x512xf32, #tpu.memory_space<vmem>>, %arg4: memref<2000x512xf32, #tpu.memory_space<vmem>>) attributes {dimension_semantics = [#tpu.dimension_semantics<arbitrary>], iteration_bounds = array<i64: 50>, scalar_prefetch = 0 : i64, scratch_operands = 0 : i64, tpu.core_type = #tpu.core_type<tc>, window_params = [{pipeline_mode = #tpu.pipeline_mode<synchronous>, transform_indices = @transform_0, window_bounds = array<i64: 1, 512>}, {transform_indices = @transform_1, window_bounds = array<i64: 2000, 512>}, {transform_indices = @transform_2, window_bounds = array<i64: 2000, 512>}, {transform_indices = @transform_3, window_bounds = array<i64: 2000, 512>}]} {
    %get3A = arith.constant 0 : index
    %get3A_0 = arith.constant 0 : index
    %get3A_1 = vector.load %arg1[%get3A, %get3A_0] : memref<1x512xi32, #tpu.memory_space<vmem>>, vector<1x512xi32>
    %get3A_2 = arith.constant dense<0> : vector<1x512xi32>
    %get3A_3 = arith.cmpi ne, %get3A_1, %get3A_2 : vector<1x512xi32>
    %get3A_4 = arith.constant 0 : index
    %get3A_5 = arith.constant 0 : index
    %get3A_6 = vector.load %arg3[%get3A_4, %get3A_5] : memref<2000x512xf32, #tpu.memory_space<vmem>>, vector<2000x512xf32>
    %get3A_7 = arith.constant 0 : index
    %get3A_8 = arith.constant 0 : index
    %get3A_9 = vector.load %arg2[%get3A_7, %get3A_8] : memref<2000x512xf32, #tpu.memory_space<vmem>>, vector<2000x512xf32>
    %broadcast_in_dim3A = vector.shape_cast %get3A_3 : vector<1x512xi1> to vector<1x512xi1>
    %broadcast_in_dim3A_10 = vector.broadcast %broadcast_in_dim3A : vector<1x512xi1> to vector<2000x512xi1>
    %select_n3A = arith.select %broadcast_in_dim3A_10, %get3A_6, %get3A_9 : vector<2000x512xi1>, vector<2000x512xf32>
    %swap3A = arith.constant 0 : index
    %swap3A_11 = arith.constant 0 : index
    %swap3A_12 = vector.load %arg4[%swap3A, %swap3A_11] : memref<2000x512xf32, #tpu.memory_space<vmem>>, vector<2000x512xf32>
    tpu.vector_store %arg4[%swap3A, %swap3A_11], %select_n3A {strides = array<i32>} : memref<2000x512xf32, #tpu.memory_space<vmem>>, vector<2000x512xf32>,
    return
  }
  func.func @transform_0(%arg0: i32) -> (i32, i32) {
    %c0_i32 = arith.constant 0 : i32
    %c0_i32_0 = arith.constant 0 : i32
    %c0_i32_1 = arith.constant 0 : i32
    return %c0_i32, %c0_i32_0 : i32, i32
  }
  func.func @transform_1(%arg0: i32) -> (i32, i32) {
    %c0_i32 = arith.constant 0 : i32
    %c0_i32_0 = arith.constant 0 : i32
    return %arg0, %c0_i32 : i32, i32
  }
  func.func @transform_2(%arg0: i32) -> (i32, i32) {
    %c0_i32 = arith.constant 0 : i32
    %c0_i32_0 = arith.constant 0 : i32
    return %arg0, %c0_i32 : i32, i32
  }
  func.func @transform_3(%arg0: i32) -> (i32, i32) {
    %c0_i32 = arith.constant 0 : i32
    %c0_i32_0 = arith.constant 0 : i32
    return %arg0, %c0_i32 : i32, i32
  }
}

</mosaic_0001>

<sc_bundles>
// kernel: kernel.4.cloned.1.call-start
scs
__scs_entry_jumppad:
0x0: {  	(pc) =	sbr.rel $0x88, $3  }
0x1: {  	(tag) =	ssettag $0x0;
	lr =	simm.s32 $0x1  }
0x2: {  	[smem:$0x3F9F] =	sst lr;
	_ =	strace $0xD0000000  }
0x3: {  	_ = 	snop  }
0x4: {  	_ = 	snop  }
0x5: {  	_ = 	snop  }
0x6: {  	_ = 	snop  }
0x7: {  	_ = 	snop  }
__scs_overlays_trampoline_lowered:
0x8: {  	[smem:$0x3FAE] =	sst s0  }
0x9: {  	[smem:$0x3FAF] =	sst s1  }
0xa: {  	[smem:$0x3FB0] =	sst s2  }
0xb: {  	[smem:$0x3FB1] =	sst s3  }
0xc: {  	[smem:$0x3FB2] =	sst s4  }
0xd: {  	[smem:$0x3FB3] =	sst s5  }
0xe: {  	[smem:$0x3FB4] =	sst s6  }
0xf: {  	[smem:$0x3FB5] =	sst s7  }
0x10: {  	[smem:$0x3FB6] =	sst s8  }
0x11: {  	[smem:$0x3FB7] =	sst s9;
	s0 =	simm.s32 @!p0 $0x0  }
0x12: {  	s1 =	sld [smem:$0x3F9D];
	s0 =	simm.s32 @p0 $0x1  }
0x13: {  	[smem:$0x3FB8] =	sst s0;
	s0 =	simm.s32 @!p1 $0x0  }
0x14: {  	s2 =	sld [smem:$0x3F9C];
	s0 =	simm.s32 @p1 $0x1  }
0x15: {  	[smem:$0x3FB9] =	sst s0;
	s0 =	simm.s32 @!p2 $0x0  }
0x16: {  	s3 =	sld [smem:$0x3FDB];
	s0 =	simm.s32 @p2 $0x1  }
0x17: {  	s4 =	simm.s32 $0x1BF5;
	[smem:$0x3FBB] =	sst s0  }
0x18: {  	s0 =	sld [smem:$0x3F9E];
	_ =	swait.ge [sflag:s4], $0x0  }
0x19: {  	s7 =	sld [smem:$0x3F9F]  }
0x1a: {  	s8 =	sadd.s32 $0xFFFFE003, lr  }
0x1b: {  	s9 =	sadd.s32 $0xFFFFFEF7, lr;
	s5 =	simm.s32 $0xFFFFFFFF;
	p2 =	slt.u32 s8, $0xFFFFF086  }
0x1c: {  	p1 =	slt.u32 s9, $0xF7A;
	s5 =	simm.s32 @!p2 $0x0  }
0x1d: {  	s5 =	simm.s32 @p1 $0x1;
	p0 =	seq.s32 s7, s2  }
0x1e: {  	s7 =	smul.u32 @!p0 $0xF7A, s2;
	p2 =	seq.s32 @!p0 s5, $0x0  }
0x1f: {  	s9 =	smul.u32 $0xF7A, s1;
	s8 =	simm.s32 @!p0 $0x1BF5;
	p2 =	por !p2, p0  }
0x20: {  	[sflag:s8] =	ssyncset.s32 @!p0 $0xFFFFF086;
	s6 =	sadd.s32 @!p0 s3, s7;
	s7 =	simm.s32 @!p0 $0x108  }
0x21: {  	s3 =	sadd.s32 s3, s9;
	s6 =	sadd.s32 @!p0 $0x88, s6;
	s7 =	simm.s32 @p2 $0x1082  }
0x22: {  	[simem:s7], [sflag:s8] =	dma.local @!p0 [hbm:s6], $0xF7A  }
0x23: {  	s9 =	sor.u32 $0xD0000000, s2;
	s6 =	simm.s32 $0x108;
	_ =	swait.ge @!p0 [sflag:s8], $0x0  }
0x24: {  	s3 =	sadd.s32 $0x88, s3;
	s6 =	simm.s32 @!p1 $0x1082;
	[sflag:s4] =	ssyncset.s32 $0xFFFFF086  }
0x25: {  	[simem:s6], [sflag:s4] =	dma.local [hbm:s3], $0xF7A  }
0x26: {  	[smem:$0x3F9F] =	sst s1;
	(tag) =	ssettag s2;
	_ =	strace s9  }
0x27: {  	s1 =	sld [smem:$0x3FAF]  }
0x28: {  	s2 =	sld [smem:$0x3FB0]  }
0x29: {  	s4 =	sld [smem:$0x3FB2]  }
0x2a: {  	p0 =	seq.s32 s5, $0x0;
	s5 =	sld [smem:$0x3FB3]  }
0x2b: {  	s6 =	sld [smem:$0x3FB4]  }
0x2c: {  	s7 =	sld [smem:$0x3FB5]  }
0x2d: {  	s3 =	simm.s32 $0x108;
	s8 =	sld [smem:$0x3FB6]  }
0x2e: {  	s3 =	simm.s32 @!p0 $0x1082;
	s9 =	sld [smem:$0x3FB7]  }
0x2f: {  	lr =	sadd.s32 s0, s3;
	s0 =	sld [smem:$0x3FAE]  }
0x30: {  	s3 =	sld [smem:$0x3FB1]  }
0x31: {  	[smem:$0x3FBA] =	sst s10  }
0x32: {  	s10 =	sld [smem:$0x3FB8];
	_ =	sdelay $0x3  }
0x33: {  	p0 =	seq.s32 s10, $0x1;
	s10 =	sld [smem:$0x3FBA];
	_ =	sdelay $0x3  }
0x34: {  	[smem:$0x3FBA] =	sst s10  }
0x35: {  	s10 =	sld [smem:$0x3FB9];
	_ =	sdelay $0x3  }
0x36: {  	p1 =	seq.s32 s10, $0x1;
	s10 =	sld [smem:$0x3FBA];
	_ =	sdelay $0x3  }
0x37: {  	[smem:$0x3FBA] =	sst s10  }
0x38: {  	s10 =	sld [smem:$0x3FBB]  }
0x39: {  	_ = 	snop;
	(pc) =	sbr.ind lr, $3  }
0x3a: {  	_ = 	snop  }
0x3b: {  	_ = 	snop  }
0x3c: {  	p2 =	seq.s32 s10, $0x1;
	s10 =	sld [smem:$0x3FBA]  }
0x3d: {  	_ =	shalt  }
0x3e: {  	_ =	shalt  }
0x3f: {  	_ =	shalt  }
0x40: {  	_ =	shalt  }
0x41: {  	_ =	shalt  }
0x42: {  	_ =	shalt  }
0x43: {  	_ =	shalt  }
0x44: {  	_ =	shalt  }
0x45: {  	_ =	shalt  }
0x46: {  	_ =	shalt  }
0x47: {  	_ =	shalt  }
0x48: {  	_ =	shalt  }
0x49: {  	_ =	shalt  }
0x4a: {  	_ =	shalt  }
0x4b: {  	_ =	shalt  }
0x4c: {  	_ =	shalt  }
0x4d: {  	_ =	shalt  }
0x4e: {  	_ =	shalt  }
0x4f: {  	_ =	shalt  }
0x50: {  	_ =	shalt  }
0x51: {  	_ =	shalt  }
0x52: {  	_ =	shalt  }
0x53: {  	_ =	shalt  }
0x54: {  	_ =	shalt  }
0x55: {  	_ =	shalt  }
0x56: {  	_ =	shalt  }
0x57: {  	_ =	shalt  }
0x58: {  	_ =	shalt  }
0x59: {  	_ =	shalt  }
0x5a: {  	_ =	shalt  }
0x5b: {  	_ =	shalt  }
0x5c: {  	_ =	shalt  }
0x5d: {  	_ =	shalt  }
0x5e: {  	_ =	shalt  }
0x5f: {  	_ =	shalt  }
0x60: {  	_ =	shalt  }
0x61: {  	_ =	shalt  }
0x62: {  	_ =	shalt  }
0x63: {  	_ =	shalt  }
0x64: {  	_ =	shalt  }
0x65: {  	_ =	shalt  }
0x66: {  	_ =	shalt  }
0x67: {  	_ =	shalt  }
0x68: {  	_ =	shalt  }
0x69: {  	_ =	shalt  }
0x6a: {  	_ =	shalt  }
0x6b: {  	_ =	shalt  }
0x6c: {  	_ =	shalt  }
0x6d: {  	_ =	shalt  }
0x6e: {  	_ =	shalt  }
0x6f: {  	_ =	shalt  }
0x70: {  	_ =	shalt  }
0x71: {  	_ =	shalt  }
0x72: {  	_ =	shalt  }
0x73: {  	_ =	shalt  }
0x74: {  	_ =	shalt  }
0x75: {  	_ =	shalt  }
0x76: {  	_ =	shalt  }
0x77: {  	_ =	shalt  }
0x78: {  	_ =	shalt  }
0x79: {  	_ =	shalt  }
0x7a: {  	_ =	shalt  }
0x7b: {  	_ =	shalt  }
0x7c: {  	_ =	shalt  }
0x7d: {  	_ =	shalt  }
0x7e: {  	_ =	shalt  }
0x7f: {  	_ =	shalt  }
0x80: {  	_ =	shalt  }
0x81: {  	_ =	shalt  }
0x82: {  	_ =	shalt  }
0x83: {  	_ =	shalt  }
0x84: {  	_ =	shalt  }
0x85: {  	_ =	shalt  }
0x86: {  	_ =	shalt  }
0x87: {  	_ =	shalt  }
.Lfunc_end0:
.L_simem_size_0:
called_computation_lowered:
.L_overlay_start_0:
0x88: {  	s2 =	sld [smem:$0x3FD9]  }
0x89: {  	s3 =	sld [smem:$0x3FFE];
	_ =	sdelay $0x1  }
0x8a: {  	s1 =	srdreg.scid  }
0x8b: {  	s0 =	sand.u32 $0x1, s1  }
0x8c: {  	s14 =	sshll.u32 s0, $0xA;
	s2 =	sadd.s32 s3, s2  }
0x8d: {  	s2 =	sadd.s32 s2, s14  }
0x8e: {  	[smem:$0x3FC6] =	sst s2  }
0x8f: {  	_ = 	snop  }
0x90: {  	s2 =	sld [smem:$0x3FD0];
	_ =	sdelay $0x1  }
0x91: {  	s15 =	sld [smem:$0x3FC9]  }
0x92: {  	s5 =	simm.s32 $0xA;
	s6 =	simm.s32 $0x10;
	s4 =	sld [smem:$0x3FC8]  }
0x93: {  	[smem:s6], [sflag:s5] =	dma.local [hbm:s2], $0x1  }
0x94: {  	_ =	swait.eq [sflag:s5], $0x1  }
0x95: {  	[sflag:s5] =	ssyncset.done $0x0  }
0x96: {  	[sflag:s5] =	ssyncadd.s32 $0xFFFFFFFF  }
0x97: {  	s16 =	sld [smem:$0x11];
	(tm) =	ssettm $0x1  }
0x98: {  	s17 =	sld [smem:$0x3FFB];
	_ =	sdelay $0x3  }
0x99: {  	_ =	strace s17  }
0x9a: {  	s5 =	sld [smem:$0x3FFC];
	_ =	sdelay $0x3  }
0x9b: {  	_ =	strace s5  }
0x9c: {  	s5 =	sld [smem:$0x3FFD];
	_ =	sdelay $0x3  }
0x9d: {  	_ =	strace s5  }
0x9e: {  	_ =	strace $0x8FFFFFFF  }
0x9f: {  	s18 =	sld [smem:$0x3FDB];
	_ =	sdelay $0x1  }
0xa0: {  	s19 =	simm.s32 $_scs_section_size  }
0xa1: {  	s7 =	simm.s32 $_size__tile_overlayer_lowered;
	s8 =	simm.s32 $_tile_overlayer_lowered  }
0xa2: {  	s22 =	simm.s32 $0x1BFF;
	s21 =	sshll.u32 s8, $0x1;
	s5 =	sadd.s32 s19, s18  }
0xa3: {  	s9 =	simm.s32 $0x0;
	s20 =	sshll.u32 s7, $0x1;
	s7 =	sadd.s32 s21, s5  }
0xa4: {  	[timem:s9], [sflag:s22] =	dma.local [hbm:s7], s20  }
0xa5: {  	_ =	swait.ge [sflag:s22], s20  }
0xa6: {  	s6 =	ssub.s32 $0x0, s20;
	[sflag:s22] =	ssyncset.done $0x0  }
0xa7: {  	[sflag:s22] =	ssyncadd.s32 s6;
	_ =	sdelay $0x1  }
0xa8: {  	s23 =	simm.s32 $0x1B8B  }
0xa9: {  	_ =	swait.ge [sflag:s23], $0x1  }
0xaa: {  	[sflag:s23] =	ssyncset.done $0x0  }
0xab: {  	s25 =	simm.s32 $0x1B8E;
	s24 =	sld [smem:$0x3FFE];
	[sflag:s23] =	ssyncadd.s32 $0xFFFFFFFF  }
0xac: {  	s26 =	simm.s32 $execute0_lowered;
	[smem:$0x3FD2] =	sst s25  }
0xad: {  	s7 =	sshll.u32 s26, $0x1;
	_ =	strace $0x80000046;
	[dreg:$0x1] =	wrdreg $0xFFFFFFFF  }
0xae: {  	s28 =	simm.s32 $_size_execute0_lowered;
	s5 =	sadd.s32 s5, s7;
	[dreg:$0x0] =	wrdreg $0x0  }
0xaf: {  	s7 =	sshll.u32 s28, $0x1;
	[dreg:$0x2] =	wrdreg s5  }
0xb0: {  	[dreg:$0x3] =	wrdreg s7  }
0xb1: {  	[dreg:$0x4] =	wrdreg $0xC0  }
0xb2: {  	_ =	task [dreg:s9], $0x5FFFF  }
0xb3: {  	[dreg:$0x1] =	wrdreg $0xFFFFFFFF  }
0xb4: {  	[dreg:$0x0] =	wrdreg $0x60  }
0xb5: {  	[dreg:$0x2] =	wrdreg s24  }
0xb6: {  	[dreg:$0x3] =	wrdreg s15  }
0xb7: {  	[dreg:$0x4] =	wrdreg s4  }
0xb8: {  	[dreg:$0x5] =	wrdreg s16  }
0xb9: {  	[dreg:$0x6] =	wrdreg $0x9  }
0xba: {  	_ =	task.clear_ibuf [dreg:s9], $0x7FFFF;
	_ =	strace $0x90000046  }
0xbb: {  	s29 =	simm.s32 $0x9;
	_ =	strace $0x80000048  }
0xbc: {  	_ =	swait.ge [sflag:s29], $0x1  }
0xbd: {  	[sflag:s29] =	ssyncadd.s32 $0xFFFFFFFF  }
0xbe: {  	_ =	strace $0x90000048  }
0xbf: {  	_ =	sfence  }
0xc0: {  	s30 =	sld [smem:$0x0];
	_ =	sdelay $0x2  }
0xc1: {  	s31 =	sshll.u32 s1, $0xD;
	s1 =	sshrl.u32 s1, $0x2  }
0xc2: {  	s3 =	sand.u32 $0x4000, s31;
	s1 =	sadd.s32 s1, s30  }
0xc3: {  	s0 =	sor.u32 s3, s0;
	s1 =	sshll.u32 s1, $0x11  }
0xc4: {  	s0 =	sor.u32 s1, s0  }
0xc5: {  	s0 =	sadd.s32 $0x8F2B, s0  }
0xc6: {  	[sflag:s0] =	ssyncadd.remote.s32 $0x1  }
0xc7: {  	_ =	sfence.sel $0xFFFF  }
0xc8: {  	[dreg:$0x0] =	wrdreg $0xFFFFFFFF;
	(pc) =	sbr.abs _section_cstart, $3  }
0xc9: {  	[dreg:$0x1] =	wrdreg $0xFFFFFFFF  }
0xca: {  	_ =	task.clear_ibuf [dreg:s9], $0x2FFFF;
	_ =	strace $0x9FFFFFFF  }
0xcb: {  	(tm) =	ssettm $0x7FFFFFFF  }
tec
execute0_lowered:
.L_overlay_start_1:
0x0: {  	(tag) =	ssettag $0x1  }
0x1: {  	s3 =	rddreg [dreg:$0x0]  }
0x2: {  	s6 =	rddreg [dreg:$0x1]  }
0x3: {  	s8 =	rddreg [dreg:$0x2];
	s1 =	srdreg.scid  }
0x4: {  	s0 =	stileid.u32;
	s10 =	rddreg [dreg:$0x3];
	s2 =	simm.s32 $0x0  }
0x5: {  	s14 =	simm.s32 $0x5;
	s15 =	simm.s32 $0x6;
	s16 =	simm.s32 $0x0  }
0x6: {  	s4 =	sand.u32 $0x1, s1;
	s5 =	sshll.u32 s0, $0x1;
	[smem:$0x7FF] =	sst s2  }
0x7: {  	s12 =	smul.u32 $0x1400, s0;
	s3 =	sadd.s32 $0x400, s3;
	p0 =	slt.u32 s0, $0x2  }
0x8: {  	p1 =	sgt.u32 s0, $0x1;
	s9 =	sor.u32 s4, s5;
	s13 =	smul.u32 $0xA00, s4  }
0x9: {  	s30 =	ssub.s32 $0x2, s4;
	_ =	strace $0x80000047;
	s7 =	smul.u32 $0xA00, s9  }
0xa: {  	s11 =	sshrl.u32 s30, $0x1;
	s31 =	sadd.s32 s12, s6;
	s10 =	sadd.s32 s12, s10  }
0xb: {  	s9 =	sor.u32 $0x60, s9;
	s11 =	ssub.s32 s30, s11;
	s10 =	sadd.s32 s13, s10  }
0xc: {  	s4 =	sadd.s32 s6, s7;
	s5 =	sadd.s32 s8, s7;
	s6 =	smax.u32 s11, $0x1  }
0xd: {  	s7 =	sadd.s32 s13, s31;
	s8 =	sadd.s32 s12, s8;
	s11 =	simm.s32 $0x7  }
0xe: {  	s12 =	simm.s32 $0x200;
	s8 =	sadd.s32 s13, s8;
	s13 =	simm.s32 $0xF200  }
.LBB2_1:
0xf: {  	[tilespmem:s2], [sflag:$0x7] =	stream.linear.gather [hbm4b:s3+s2], $0x200, $0x38;
	[tilespmem:$0x1E200] =	vst v63  }
0x10: {  	s17 =	sadd.s32 $0xFFFFFFC0, s9  }
0x11: {  	_ =	swait.ge [sflag:s11], $0x200;
	p2 =	sgt.u32 s17, $0x9C3  }
0x12: {  	[sflag:s11] =	ssyncset.done $0x0;
	p3 =	por p2, p2  }
0x13: {  	[sflag:s11] =	ssyncadd.s32 $0xFFFFFE00;
	p4 =	por @!p3 $0x1, $0x1  }
0x14: {  	[tilespmem:s12], [sflag:$0x1] =	stream.linear.gather [hbm4b:s4+s2], $0x5000, $0x38;
	[tilespmem:$0x1E200] =	vst v63  }
0x15: {  	p5 =	por p4, p3  }
0x16: {  	s21 =	sadd.s32 $0xFFFFFFA0, s9;
	s18 =	simm.s32 @!p5 $0x5  }
0x17: {  	[tilespmem:s13], [sflag:$0x1] =	stream.linear.gather [hbm4b:s5+s2], $0x5000, $0x38;
	[tilespmem:$0x1E200] =	vst v63  }
0x18: {  	s17 =	sadd.s32 @!p2 $0x0, s8;
	s19 =	sadd.s32 @!p3 $0x0, s7;
	_ =	swait.ge @!p5 [sflag:s18], $0x5000  }
0x19: {  	s20 =	simm.s32 @!p3 $0x5200;
	s23 =	simm.s32 @!p3 $0x0;
	[sflag:s18] =	ssyncset.done @!p5 $0x0  }
0x1a: {  	s19 =	sadd.s32 @!p3 $0x14000, s19;
	p4 =	sgt.u32 s21, $0x9C3;
	[sflag:s18] =	ssyncadd.s32 @!p5 $0xFFFFB000  }
0x1b: {  	[tilespmem:s20], [sflag:$0x2] =	stream.linear.gather @!p3 [hbm4b:s19+s23], $0x5000, $0x38;
	[tilespmem:$0x1E200] =	vst v63  }
0x1c: {  	s17 =	sadd.s32 @!p3 $0x14000, s17;
	s18 =	simm.s32 @!p4 $0x1;
	s19 =	simm.s32 @!p3 $0x14200  }
0x1d: {  	[tilespmem:s19], [sflag:$0x2] =	stream.linear.gather @!p3 [hbm4b:s17+s23], $0x5000, $0x38;
	[tilespmem:$0x1E200] =	vst v63  }
0x1e: {  	_ =	swait.ge @!p4 [sflag:s18], $0x5000  }
0x1f: {  	s31 =	sadd.s32 $0xFFFFFFE0, s9;
	[sflag:s18] =	ssyncset.done @!p4 $0x0  }
0x20: {  	p2 =	sgt.u32 s31, $0x9C3;
	[sflag:s18] =	ssyncadd.s32 @!p4 $0xFFFFB000  }
0x21: {  	s21 =	sadd.s32 @!p4 $0x0, s10;
	p5 =	por @!p2 $0x1, $0x1;
	_ =	swait.ge @!p4 [sflag:s18], $0x5000  }
0x22: {  	s20 =	simm.s32 @!p4 $0xF200;
	p5 =	por p5, p2;
	[sflag:s18] =	ssyncset.done @!p4 $0x0  }
0x23: {  	s22 =	simm.s32 @!p5 $0x6;
	s17 =	simm.s32 @!p4 $0x0;
	[sflag:s18] =	ssyncadd.s32 @!p4 $0xFFFFB000  }
0x24: {  	[hbm4b:s21+s17] =	stream.linear.scatter @!p4 [tilespmem:s20], [sflag:$0x4], $0x5000, $0x38;
	[tilespmem:$0x1E200] =	vst v63  }
0x25: {  	s18 =	sadd.s32 @!p2 $0x0, s8;
	_ =	swait.ge @!p5 [sflag:s22], $0x5000  }
0x26: {  	s17 =	sadd.s32 @!p2 $0x0, s7;
	s21 =	simm.s32 @!p2 $0x0;
	[sflag:s22] =	ssyncset.done @!p5 $0x0  }
0x27: {  	s20 =	simm.s32 @!p2 $0xA200;
	s17 =	sadd.s32 @!p2 $0x28000, s17;
	[sflag:s22] =	ssyncadd.s32 @!p5 $0xFFFFB000  }
0x28: {  	[tilespmem:s20], [sflag:$0x3] =	stream.linear.gather @!p2 [hbm4b:s17+s21], $0x5000, $0x38;
	[tilespmem:$0x1E200] =	vst v63  }
0x29: {  	s22 =	simm.s32 @!p2 $0x19200;
	s17 =	sadd.s32 @!p2 $0x28000, s18;
	s20 =	simm.s32 @!p3 $0x2  }
0x2a: {  	[tilespmem:s22], [sflag:$0x3] =	stream.linear.gather @!p2 [hbm4b:s17+s21], $0x5000, $0x38;
	[tilespmem:$0x1E200] =	vst v63  }
0x2b: {  	s24 =	sadd.s32 @!p3 $0x0, s10;
	_ =	swait.ge @!p3 [sflag:s20], $0x5000  }
0x2c: {  	s24 =	sadd.s32 @!p3 $0x14000, s24;
	[sflag:s20] =	ssyncset.done @!p3 $0x0  }
0x2d: {  	p5 =	sgt.u32 s9, $0x9C3;
	s18 =	sadd.s32 $0x60, s9;
	[sflag:s20] =	ssyncadd.s32 @!p3 $0xFFFFB000  }
0x2e: {  	s30 =	simm.s32 @!p5 $0x4;
	s25 =	sadd.s32 $0xFFFFFFC0, s18;
	_ =	swait.ge @!p3 [sflag:s20], $0x5000  }
0x2f: {  	s17 =	simm.s32 $0x3C000;
	p6 =	sgt.u32 s25, $0x9C3;
	[sflag:s20] =	ssyncset.done @!p3 $0x0  }
0x30: {  	s25 =	simm.s32 @!p2 $0x3;
	s29 =	sadd.s32 @!p6 $0x3C000, s8;
	[sflag:s20] =	ssyncadd.s32 @!p3 $0xFFFFB000  }
0x31: {  	[hbm4b:s24+s23] =	stream.linear.scatter @!p3 [tilespmem:s19], [sflag:$0x5], $0x5000, $0x38;
	[tilespmem:$0x1E200] =	vst v63  }
0x32: {  	s20 =	simm.s32 $0x78000;
	s23 =	sadd.s32 @!p5 $0x0, s7;
	s19 =	simm.s32 $0x0  }
.LBB2_2:
0x33: {  	_ =	swait.ge @!p5 [sflag:s30], $0x5000;
	s24 =	sadd.s32 @!p5 $0x3C000, s23;
	s26 =	simm.s32 @!p5 $0x0  }
0x34: {  	s28 =	smov.u32 s20;
	s23 =	smov.u32 s18;
	p3 =	por p6, p6  }
0x35: {  	s31 =	simm.s32 @!p5 $0x200;
	s1 =	sadd.s32 @!p5 s19, s8;
	[sflag:s30] =	ssyncset.done @!p5 $0x0  }
0x36: {  	s29 =	sadd.s32 @!p3 $0x14000, s29;
	s1 =	sadd.s32 @!p5 $0x3C000, s1;
	[sflag:s30] =	ssyncadd.s32 @!p5 $0xFFFFB000  }
0x37: {  	[tilespmem:s31], [sflag:$0x1] =	stream.linear.gather @!p5 [hbm4b:s24+s26], $0x5000, $0x38;
	[tilespmem:$0x1E200] =	vst v63  }
0x38: {  	p4 =	seq.s32 @!p3 s17, $0x0;
	s30 =	simm.s32 @!p5 $0xF200;
	s24 =	sadd.s32 @!p3 s17, s10  }
0x39: {  	[tilespmem:s30], [sflag:$0x1] =	stream.linear.gather @!p5 [hbm4b:s1+s26], $0x5000, $0x38;
	[tilespmem:$0x1E200] =	vst v63  }
0x3a: {  	s24 =	sadd.s32 @!p3 $0x14000, s24;
	s1 =	sadd.s32 @!p3 s17, s7;
	_ =	swait.ge @!p2 [sflag:s25], $0x5000  }
0x3b: {  	s31 =	sadd.s32 $0xFFFFFFA0, s18;
	s30 =	simm.s32 @!p3 $0x5200;
	[sflag:s25] =	ssyncset.done @!p2 $0x0  }
0x3c: {  	s19 =	sadd.s32 @!p2 s19, s10;
	s1 =	sadd.s32 @!p3 $0x14000, s1;
	[sflag:s25] =	ssyncadd.s32 @!p2 $0xFFFFB000  }
0x3d: {  	p6 =	por p4, p3;
	s26 =	sadd.s32 @!p2 $0x28000, s19;
	_ =	swait.ge @!p2 [sflag:s25], $0x5000  }
0x3e: {  	s20 =	sadd.s32 $0x3C000, s20;
	s0 =	simm.s32 @!p6 $0x5;
	[sflag:s25] =	ssyncset.done @!p2 $0x0  }
0x3f: {  	p4 =	sne.s32 s20, $0x654000;
	s19 =	smov.u32 s17;
	[sflag:s25] =	ssyncadd.s32 @!p2 $0xFFFFB000  }
0x40: {  	[hbm4b:s26+s21] =	stream.linear.scatter @!p2 [tilespmem:s22], [sflag:$0x6], $0x5000, $0x38;
	[tilespmem:$0x1E200] =	vst v63  }
0x41: {  	s17 =	smov.u32 s28;
	s21 =	sadd.s32 $0xFFFFFFE0, s18;
	_ =	swait.ge @!p6 [sflag:s0], $0x5000  }
0x42: {  	p5 =	sgt.u32 s31, $0x9C3;
	s26 =	simm.s32 @!p3 $0x0;
	[sflag:s0] =	ssyncset.done @!p6 $0x0  }
0x43: {  	[sflag:s0] =	ssyncadd.s32 @!p6 $0xFFFFB000  }
0x44: {  	[tilespmem:s30], [sflag:$0x2] =	stream.linear.gather @!p3 [hbm4b:s1+s26], $0x5000, $0x38;
	[tilespmem:$0x1E200] =	vst v63  }
0x45: {  	s28 =	simm.s32 @!p3 $0x14200;
	s0 =	simm.s32 @!p5 $0x1  }
0x46: {  	[tilespmem:s28], [sflag:$0x2] =	stream.linear.gather @!p3 [hbm4b:s29+s26], $0x5000, $0x38;
	[tilespmem:$0x1E200] =	vst v63  }
0x47: {  	_ =	swait.ge @!p5 [sflag:s0], $0x5000  }
0x48: {  	p2 =	sgt.u32 s21, $0x9C3;
	s1 =	simm.s32 @!p5 $0x0;
	[sflag:s0] =	ssyncset.done @!p5 $0x0  }
0x49: {  	s21 =	sadd.s32 @!p2 s19, s7;
	p6 =	seq.s32 @!p2 s19, $0x0;
	[sflag:s0] =	ssyncadd.s32 @!p5 $0xFFFFB000  }
0x4a: {  	s22 =	simm.s32 @!p5 $0xF200;
	p6 =	por p6, p2;
	_ =	swait.ge @!p5 [sflag:s0], $0x5000  }
0x4b: {  	s25 =	sadd.s32 @!p5 s19, s10;
	s29 =	simm.s32 @!p6 $0x6;
	[sflag:s0] =	ssyncset.done @!p5 $0x0  }
0x4c: {  	[sflag:s0] =	ssyncadd.s32 @!p5 $0xFFFFB000;
	s0 =	sadd.s32 @!p2 $0x28000, s21;
	s21 =	sadd.s32 @!p2 s19, s8  }
0x4d: {  	[hbm4b:s25+s1] =	stream.linear.scatter @!p5 [tilespmem:s22], [sflag:$0x4], $0x5000, $0x38;
	[tilespmem:$0x1E200] =	vst v63  }
0x4e: {  	s1 =	sadd.s32 @!p2 $0x28000, s21;
	_ =	swait.ge @!p6 [sflag:s29], $0x5000  }
0x4f: {  	s21 =	simm.s32 @!p2 $0x0;
	s22 =	simm.s32 @!p2 $0xA200;
	[sflag:s29] =	ssyncset.done @!p6 $0x0  }
0x50: {  	[sflag:s29] =	ssyncadd.s32 @!p6 $0xFFFFB000  }
0x51: {  	[tilespmem:s22], [sflag:$0x3] =	stream.linear.gather @!p2 [hbm4b:s0+s21], $0x5000, $0x38;
	[tilespmem:$0x1E200] =	vst v63  }
0x52: {  	s22 =	simm.s32 @!p2 $0x19200;
	s0 =	simm.s32 @!p3 $0x2  }
0x53: {  	[tilespmem:s22], [sflag:$0x3] =	stream.linear.gather @!p2 [hbm4b:s1+s21], $0x5000, $0x38;
	[tilespmem:$0x1E200] =	vst v63  }
0x54: {  	_ =	swait.ge @!p3 [sflag:s0], $0x5000  }
0x55: {  	[sflag:s0] =	ssyncset.done @!p3 $0x0  }
0x56: {  	[sflag:s0] =	ssyncadd.s32 @!p3 $0xFFFFB000  }
.Ltmp0:
0x57: {  	s18 =	sadd.s32 $0x60, s18;
	_ =	swait.ge @!p3 [sflag:s0], $0x5000;
	(pc) =	sbr.rel @p4 .LBB2_2-.Ltmp0, $4  }
0x58: {  	p5 =	sgt.u32 s23, $0x9C3;
	s1 =	sadd.s32 $0xFFFFFFC0, s18;
	[sflag:s0] =	ssyncset.done @!p3 $0x0  }
0x59: {  	s30 =	simm.s32 @!p5 $0x4;
	p6 =	sgt.u32 s1, $0x9C3;
	[sflag:s0] =	ssyncadd.s32 @!p3 $0xFFFFB000  }
0x5a: {  	s25 =	simm.s32 @!p2 $0x3;
	s23 =	sadd.s32 @!p5 s19, s7;
	s29 =	sadd.s32 @!p6 s17, s8  }
0x5b: {  	[hbm4b:s24+s26] =	stream.linear.scatter @!p3 [tilespmem:s28], [sflag:$0x5], $0x5000, $0x38;
	[tilespmem:$0x1E200] =	vst v63  }
0x5c: {  	_ =	swait.ge @!p5 [sflag:s30], $0x5000  }
0x5d: {  	s0 =	sadd.s32 @!p5 $0x3C000, s23;
	s1 =	simm.s32 @!p5 $0x0;
	[sflag:s30] =	ssyncset.done @!p5 $0x0  }
0x5e: {  	s20 =	simm.s32 @!p5 $0x200;
	s23 =	sadd.s32 @!p5 s19, s8;
	[sflag:s30] =	ssyncadd.s32 @!p5 $0xFFFFB000  }
0x5f: {  	[tilespmem:s20], [sflag:$0x1] =	stream.linear.gather @!p5 [hbm4b:s0+s1], $0x5000, $0x38;
	[tilespmem:$0x1E200] =	vst v63  }
0x60: {  	s0 =	sadd.s32 @!p5 $0x3C000, s23;
	s20 =	simm.s32 @!p5 $0xF200  }
0x61: {  	[tilespmem:s20], [sflag:$0x1] =	stream.linear.gather @!p5 [hbm4b:s0+s1], $0x5000, $0x38;
	[tilespmem:$0x1E200] =	vst v63  }
0x62: {  	_ =	swait.ge @!p2 [sflag:s25], $0x5000  }
0x63: {  	[sflag:s25] =	ssyncset.done @!p2 $0x0  }
0x64: {  	p3 =	por p6, p6;
	[sflag:s25] =	ssyncadd.s32 @!p2 $0xFFFFB000  }
0x65: {  	p4 =	seq.s32 @!p3 s17, $0x0;
	_ =	swait.ge @!p2 [sflag:s25], $0x5000  }
0x66: {  	s0 =	sadd.s32 @!p2 s19, s10;
	p5 =	por p4, p3;
	[sflag:s25] =	ssyncset.done @!p2 $0x0  }
0x67: {  	s0 =	sadd.s32 @!p2 $0x28000, s0;
	s1 =	simm.s32 @!p5 $0x5;
	[sflag:s25] =	ssyncadd.s32 @!p2 $0xFFFFB000  }
0x68: {  	[hbm4b:s0+s21] =	stream.linear.scatter @!p2 [tilespmem:s22], [sflag:$0x6], $0x5000, $0x38;
	[tilespmem:$0x1E200] =	vst v63  }
0x69: {  	s30 =	sadd.s32 $0xFFFFFFA0, s18;
	s19 =	simm.s32 @!p3 $0x5200;
	_ =	swait.ge @!p5 [sflag:s1], $0x5000  }
0x6a: {  	p4 =	sgt.u32 s30, $0x9C3;
	s0 =	sadd.s32 @!p3 s17, s7;
	[sflag:s1] =	ssyncset.done @!p5 $0x0  }
0x6b: {  	s21 =	simm.s32 @!p3 $0x0;
	s0 =	sadd.s32 @!p3 $0x14000, s0;
	[sflag:s1] =	ssyncadd.s32 @!p5 $0xFFFFB000  }
0x6c: {  	[tilespmem:s19], [sflag:$0x2] =	stream.linear.gather @!p3 [hbm4b:s0+s21], $0x5000, $0x38;
	[tilespmem:$0x1E200] =	vst v63  }
0x6d: {  	s1 =	simm.s32 @!p3 $0x14200;
	s0 =	sadd.s32 @!p3 $0x14000, s29;
	s19 =	simm.s32 @!p4 $0x1  }
0x6e: {  	[tilespmem:s1], [sflag:$0x2] =	stream.linear.gather @!p3 [hbm4b:s0+s21], $0x5000, $0x38;
	[tilespmem:$0x1E200] =	vst v63  }
0x6f: {  	_ =	swait.ge @!p4 [sflag:s19], $0x5000  }
0x70: {  	s31 =	sadd.s32 $0xFFFFFFE0, s18;
	[sflag:s19] =	ssyncset.done @!p4 $0x0  }
0x71: {  	p2 =	sgt.u32 s31, $0x9C3;
	[sflag:s19] =	ssyncadd.s32 @!p4 $0xFFFFB000  }
0x72: {  	s20 =	simm.s32 @!p4 $0xF200;
	p5 =	seq.s32 @!p2 s17, $0x0;
	_ =	swait.ge @!p4 [sflag:s19], $0x5000  }
0x73: {  	s22 =	sadd.s32 @!p4 s17, s10;
	p5 =	por p5, p2;
	[sflag:s19] =	ssyncset.done @!p4 $0x0  }
0x74: {  	s23 =	simm.s32 @!p5 $0x6;
	s0 =	simm.s32 @!p4 $0x0;
	[sflag:s19] =	ssyncadd.s32 @!p4 $0xFFFFB000  }
0x75: {  	[hbm4b:s22+s0] =	stream.linear.scatter @!p4 [tilespmem:s20], [sflag:$0x4], $0x5000, $0x38;
	[tilespmem:$0x1E200] =	vst v63  }
0x76: {  	s19 =	sadd.s32 @!p2 s17, s8;
	_ =	swait.ge @!p5 [sflag:s23], $0x5000  }
0x77: {  	s0 =	sadd.s32 @!p2 s17, s7;
	s20 =	simm.s32 @!p2 $0x0;
	[sflag:s23] =	ssyncset.done @!p5 $0x0  }
0x78: {  	s22 =	simm.s32 @!p2 $0xA200;
	s0 =	sadd.s32 @!p2 $0x28000, s0;
	[sflag:s23] =	ssyncadd.s32 @!p5 $0xFFFFB000  }
0x79: {  	[tilespmem:s22], [sflag:$0x3] =	stream.linear.gather @!p2 [hbm4b:s0+s20], $0x5000, $0x38;
	[tilespmem:$0x1E200] =	vst v63  }
0x7a: {  	s0 =	sadd.s32 @!p2 $0x28000, s19;
	s19 =	simm.s32 @!p2 $0x19200;
	s22 =	simm.s32 @!p3 $0x2  }
0x7b: {  	[tilespmem:s19], [sflag:$0x3] =	stream.linear.gather @!p2 [hbm4b:s0+s20], $0x5000, $0x38;
	[tilespmem:$0x1E200] =	vst v63  }
0x7c: {  	_ =	swait.ge @!p3 [sflag:s22], $0x5000  }
0x7d: {  	[sflag:s22] =	ssyncset.done @!p3 $0x0  }
0x7e: {  	[sflag:s22] =	ssyncadd.s32 @!p3 $0xFFFFB000  }
0x7f: {  	_ =	swait.ge @!p3 [sflag:s22], $0x5000  }
0x80: {  	p4 =	sgt.u32 s18, $0x9C3;
	s0 =	sadd.s32 @!p3 s17, s10;
	[sflag:s22] =	ssyncset.done @!p3 $0x0  }
0x81: {  	s18 =	simm.s32 @!p4 $0x4;
	s0 =	sadd.s32 @!p3 $0x14000, s0;
	[sflag:s22] =	ssyncadd.s32 @!p3 $0xFFFFB000  }
0x82: {  	[hbm4b:s0+s21] =	stream.linear.scatter @!p3 [tilespmem:s1], [sflag:$0x5], $0x5000, $0x38;
	[tilespmem:$0x1E200] =	vst v63  }
0x83: {  	s22 =	sadd.s32 @!p4 s17, s8;
	_ =	swait.ge @!p4 [sflag:s18], $0x5000  }
0x84: {  	s0 =	sadd.s32 @!p4 s17, s7;
	s1 =	simm.s32 @!p4 $0x0;
	[sflag:s18] =	ssyncset.done @!p4 $0x0  }
0x85: {  	s21 =	simm.s32 @!p4 $0x200;
	s0 =	sadd.s32 @!p4 $0x3C000, s0;
	[sflag:s18] =	ssyncadd.s32 @!p4 $0xFFFFB000  }
0x86: {  	[tilespmem:s21], [sflag:$0x1] =	stream.linear.gather @!p4 [hbm4b:s0+s1], $0x5000, $0x38;
	[tilespmem:$0x1E200] =	vst v63  }
0x87: {  	s18 =	sadd.s32 @!p4 $0x3C000, s22;
	s0 =	simm.s32 @!p2 $0x3;
	s21 =	simm.s32 @!p4 $0xF200  }
0x88: {  	[tilespmem:s21], [sflag:$0x1] =	stream.linear.gather @!p4 [hbm4b:s18+s1], $0x5000, $0x38;
	[tilespmem:$0x1E200] =	vst v63  }
0x89: {  	_ =	swait.ge @!p2 [sflag:s0], $0x5000  }
0x8a: {  	[sflag:s0] =	ssyncset.done @!p2 $0x0  }
0x8b: {  	[sflag:s0] =	ssyncadd.s32 @!p2 $0xFFFFB000  }
0x8c: {  	_ =	swait.ge @!p2 [sflag:s0], $0x5000  }
0x8d: {  	s1 =	sadd.s32 @!p2 s17, s10;
	[sflag:s0] =	ssyncset.done @!p2 $0x0  }
0x8e: {  	s1 =	sadd.s32 @!p2 $0x28000, s1;
	[sflag:s0] =	ssyncadd.s32 @!p2 $0xFFFFB000;
	s0 =	simm.s32 @!p0 $0x4  }
0x8f: {  	[hbm4b:s1+s20] =	stream.linear.scatter @!p2 [tilespmem:s19], [sflag:$0x6], $0x5000, $0x38;
	[tilespmem:$0x1E200] =	vst v63  }
0x90: {  	_ =	swait.ge @!p0 [sflag:s0], $0x5000  }
0x91: {  	[sflag:s0] =	ssyncset.done @!p0 $0x0  }
0x92: {  	[sflag:s0] =	ssyncadd.s32 @!p0 $0xFFFFB000  }
0x93: {  	_ =	swait.ge [sflag:s14], $0x5000  }
0x94: {  	[sflag:s14] =	ssyncset.done $0x0  }
0x95: {  	s16 =	sadd.s32 $0x1, s16;
	[sflag:s14] =	ssyncadd.s32 $0xFFFFB000  }
0x96: {  	p2 =	sne.s32 s16, s6;
	_ =	swait.ge [sflag:s15], $0x5000  }
.Ltmp1:
0x97: {  	[sflag:s15] =	ssyncset.done $0x0;
	(pc) =	sbr.rel @p2 .LBB2_1-.Ltmp1, $4  }
0x98: {  	s0 =	simm.s32 @!p1 $0x4;
	[sflag:s15] =	ssyncadd.s32 $0xFFFFB000  }
0x99: {  	_ =	swait.ge @!p1 [sflag:s0], $0x5000  }
0x9a: {  	[sflag:s0] =	ssyncset.done @!p1 $0x0  }
0x9b: {  	[sflag:s0] =	ssyncadd.s32 @!p1 $0xFFFFB000  }
0x9c: {  	_ =	sfence.sel $0x180000  }
0x9d: {  	[bflag:$0x0] =	sbarrier.arrive $0xFFFF  }
0x9e: {  	_ =	strace $0x90000047  }
0x9f: {  	s0 =	stileid.u32;
	[bflag:$0x2] =	sbarrier.arrive $0xFFFF  }
0xa0: {  	p0 =	sne.s32 s0, $0x0;
	s0 =	rddreg [dreg:$0x4]  }
0xa1: {  	s0 =	sadd.s32 @!p0 $0x100000, s0  }
0xa2: {  	[sflag:s0] =	ssyncadd.tile.s32 @!p0 $0x1;
	_ =	shalt  }
.Lfunc_end2:
_tile_overlayer_lowered:
.L_overlay_start_2:
0xa3: {  	(tag) =	ssettag $0x2  }
0xa4: {  	s0 =	rddreg [dreg:$0x0];
	s2 =	stileid.u32  }
0xa5: {  	s1 =	rddreg [dreg:$0x1];
	p0 =	sne.s32 s2, $0x0  }
0xa6: {  	s3 =	rddreg [dreg:$0x2];
	[bflag:$0x3] =	sbarrier.arrive $0xFFFF;
	s2 =	simm.s32 @!p0 $0x1C07  }
0xa7: {  	[timem:s3], [sflag:s2] =	dma.local @!p0 [hbm:s0], s1  }
0xa8: {  	s0 =	simm.s32 @!p0 $0x7  }
0xa9: {  	_ =	swait.ge @!p0 [sflag:s0], s1  }
0xaa: {  	s1 =	ssub.s32 @!p0 $0x0, s1;
	[sflag:s0] =	ssyncset.done @!p0 $0x0  }
0xab: {  	[sflag:s0] =	ssyncadd.s32 @!p0 s1  }
0xac: {  	[bflag:$0x3] =	sbarrier.arrive $0xFFFF  }
0xad: {  	_ =	shalt  }

</sc_bundles>
